<compile_context>
chip_gen: v7x
topology: tpu7x:2x2x1
jax: 0.10.2.dev20260603
libtpu: 0.0.44.dev20260713+nightly
codegen_flags: <defaults>
</compile_context>

<pallas_src>
import functools

import jax
import jax.numpy as jnp
from jax import lax
from jax.experimental import pallas as pl
from jax.experimental.pallas import tpu as pltpu
from jax.experimental.pallas import tpu_sc as plsc

B = 16384
D = 128
L = 16
NC = 2
NS = 16
NW = NC * NS
B_PER_W = B // NW
CHUNK = 128
N_CHUNKS = B_PER_W // CHUNK


@functools.partial(
    pl.kernel,
    out_type=jax.ShapeDtypeStruct((B, D), jnp.float32),
    mesh=plsc.VectorSubcoreMesh(core_axis_name="c", subcore_axis_name="s"),
    scratch_types=[
        pltpu.VMEM((B_PER_W,), jnp.int32),
        pltpu.VMEM((B_PER_W, D), jnp.float32),
        pltpu.SemaphoreType.DMA,
    ],
)
def _gather_kernel(x_hbm, table_hbm, out_hbm, idx_v, rows_v, sem):
    wid = lax.axis_index("s") * NC + lax.axis_index("c")
    base = wid * B_PER_W
    pltpu.sync_copy(x_hbm.at[pl.ds(base, B_PER_W)], idx_v)
    for i in range(B_PER_W // L):
        sl = pl.ds(i * L, L)
        idx_v[sl] = idx_v[sl] + 1
    copies = []
    for j in range(N_CHUNKS):
        c = pl.ds(j * CHUNK, CHUNK)
        copies.append(
            pltpu.async_copy(table_hbm.at[idx_v.at[c]], rows_v.at[c], sem)
        )
    for cp in copies:
        cp.wait()
    pltpu.sync_copy(rows_v, out_hbm.at[pl.ds(base, B_PER_W)])


def kernel(x, table):
    return _gather_kernel(x, table)

# --- scband reference (transcript-rebuilt; emitter-appended) ---
"""Pipeline reference for scband-user-model-8950711844963 (READ-ONLY COPY).

The authoritative reference and input builder live on the scoring server;
editing this copy changes nothing except your own understanding.
"""

import jax, jax.numpy as jnp
import numpy as np

VOCAB = 1000000  # len(user_ids)
DIM = 128        # n_factors
BATCH = 16384


def setup_inputs(seed: int = 0) -> dict:
    key = jax.random.key(seed)
    k1, k2 = jax.random.split(key)
    # x: raw integer user ids in [0, VOCAB). In the original model they are
    # stringified and mapped by StringLookup (vocabulary = [str(i) for i in range(VOCAB)],
    # mask_token=None, so OOV -> index 0, known ids -> 1..VOCAB).
    x = jax.random.randint(k1, (BATCH,), 0, VOCAB, dtype=jnp.int32)
    # Embedding table: (VOCAB + 1, DIM) to account for the OOV slot at row 0.
    table = jax.random.normal(k2, (VOCAB + 1, DIM), dtype=jnp.float32) * 0.05
    return {"x": x, "table": table}


def reference(x, table):
    # tf.as_string(x) -> StringLookup: id i maps to index i + 1 (0 reserved for OOV)
    idx = x + 1
    # Embedding lookup
    out = jnp.take(table, idx, axis=0)
    return out

if __name__ == "__main__":
    import jax
    _d = setup_inputs()
    print(jax.jit(kernel)(*tuple(_d.values())))

</pallas_src>

<mosaic_0001>
#map = affine_map<(d0, d1) -> (0)>
#map1 = affine_map<(d0, d1) -> (0, 0)>
module attributes {stable_mosaic.version = 14 : i64} {
  func.func @_gather_kernel(%arg0: i32, %arg1: i32, %arg2: memref<16384xi32, #tpu.memory_space<hbm>>, %arg3: memref<1000001x128xf32, #tpu.memory_space<hbm>>, %arg4: memref<16384x128xf32, #tpu.memory_space<hbm>>, %arg5: memref<512xi32, #tpu.memory_space<vmem>>, %arg6: memref<512x128xf32, #tpu.memory_space<vmem>>, %arg7: memref<!tpu.dma_semaphore, #tpu.memory_space<semaphore_mem>>) attributes {dimension_semantics = [#tpu.dimension_semantics<core_parallel>, #tpu.dimension_semantics<subcore_parallel>], iteration_bounds = array<i64: 2, 16>, scalar_prefetch = 0 : i64, scratch_operands = 3 : i64, tpu.core_type = #tpu.core_type<sc_vector_subcore>, window_params = [{transform_indices = #map}, {transform_indices = #map1}, {transform_indices = #map1}]} {
    %mul3A = arith.constant 2 : i32
    %mul3A_0 = arith.muli %arg1, %mul3A : i32
    %add3A = arith.addi %mul3A_0, %arg0 : i32
    %mul3A_1 = arith.constant 512 : i32
    %mul3A_2 = arith.muli %add3A, %mul3A_1 : i32
    "tpu.region"() ({
      %run_scoped3A = tpu.sem_alloc : memref<!tpu.dma_semaphore, #tpu.memory_space<semaphore_mem>>
      %dma_start3A_383 = tpu.memref_slice %arg2[%mul3A_2] : memref<16384xi32, #tpu.memory_space<hbm>> -> memref<512xi32, #tpu.memory_space<hbm>>
      %dma_start3A_384 = tpu.memref_slice %arg2[%mul3A_2] : memref<16384xi32, #tpu.memory_space<hbm>> -> memref<512xi32, #tpu.memory_space<hbm>>
      tpu.enqueue_dma source(%dma_start3A_384 : memref<512xi32, #tpu.memory_space<hbm>>) target(%arg5 : memref<512xi32, #tpu.memory_space<vmem>>) target_semaphore(%run_scoped3A : memref<!tpu.dma_semaphore, #tpu.memory_space<semaphore_mem>>)
      %dma_wait3A_385 = tpu.memref_slice %arg2[%mul3A_2] : memref<16384xi32, #tpu.memory_space<hbm>> -> memref<512xi32, #tpu.memory_space<hbm>>
      %dma_wait3A_386 = tpu.memref_slice %arg2[%mul3A_2] : memref<16384xi32, #tpu.memory_space<hbm>> -> memref<512xi32, #tpu.memory_space<hbm>>
      tpu.wait_dma2 semaphore(%run_scoped3A : memref<!tpu.dma_semaphore, #tpu.memory_space<semaphore_mem>>) src(%dma_wait3A_386 : memref<512xi32, #tpu.memory_space<hbm>>) dst(%arg5 : memref<512xi32, #tpu.memory_space<vmem>>)
      tpu.yield
    }) : () -> ()
    %get3A = arith.constant 0 : index
    %get3A_3 = tpu.vector_load %arg5[%get3A] {strides = array<i32>} : memref<512xi32, #tpu.memory_space<vmem>>, vector<16xi32>,
    %get3A_4 = vector.shape_cast %get3A_3 : vector<16xi32> to vector<16xi32>
    %add3A_5 = arith.constant 1 : i32
    %add3A_6 = vector.broadcast %add3A_5 : i32 to vector<16xi32>
    %add3A_7 = arith.addi %get3A_4, %add3A_6 : vector<16xi32>
    %swap3A = arith.constant 0 : index
    %swap3A_8 = tpu.vector_load %arg5[%swap3A] {strides = array<i32>} : memref<512xi32, #tpu.memory_space<vmem>>, vector<16xi32>,
    %swap3A_9 = vector.shape_cast %swap3A_8 : vector<16xi32> to vector<16xi32>
    %swap3A_10 = vector.shape_cast %add3A_7 : vector<16xi32> to vector<16xi32>
    tpu.vector_store %arg5[%swap3A], %swap3A_10 {strides = array<i32>} : memref<512xi32, #tpu.memory_space<vmem>>, vector<16xi32>,
    %get3A_11 = arith.constant 16 : index
    %get3A_12 = tpu.vector_load %arg5[%get3A_11] {strides = array<i32>} : memref<512xi32, #tpu.memory_space<vmem>>, vector<16xi32>,
    %get3A_13 = vector.shape_cast %get3A_12 : vector<16xi32> to vector<16xi32>
    %add3A_14 = arith.constant 1 : i32
    %add3A_15 = vector.broadcast %add3A_14 : i32 to vector<16xi32>
    %add3A_16 = arith.addi %get3A_13, %add3A_15 : vector<16xi32>
    %swap3A_17 = arith.constant 16 : index
    %swap3A_18 = tpu.vector_load %arg5[%swap3A_17] {strides = array<i32>} : memref<512xi32, #tpu.memory_space<vmem>>, vector<16xi32>,
    %swap3A_19 = vector.shape_cast %swap3A_18 : vector<16xi32> to vector<16xi32>
    %swap3A_20 = vector.shape_cast %add3A_16 : vector<16xi32> to vector<16xi32>
    tpu.vector_store %arg5[%swap3A_17], %swap3A_20 {strides = array<i32>} : memref<512xi32, #tpu.memory_space<vmem>>, vector<16xi32>,
    %get3A_21 = arith.constant 32 : index
    %get3A_22 = tpu.vector_load %arg5[%get3A_21] {strides = array<i32>} : memref<512xi32, #tpu.memory_space<vmem>>, vector<16xi32>,
    %get3A_23 = vector.shape_cast %get3A_22 : vector<16xi32> to vector<16xi32>
    %add3A_24 = arith.constant 1 : i32
    %add3A_25 = vector.broadcast %add3A_24 : i32 to vector<16xi32>
    %add3A_26 = arith.addi %get3A_23, %add3A_25 : vector<16xi32>
    %swap3A_27 = arith.constant 32 : index
    %swap3A_28 = tpu.vector_load %arg5[%swap3A_27] {strides = array<i32>} : memref<512xi32, #tpu.memory_space<vmem>>, vector<16xi32>,
    %swap3A_29 = vector.shape_cast %swap3A_28 : vector<16xi32> to vector<16xi32>
    %swap3A_30 = vector.shape_cast %add3A_26 : vector<16xi32> to vector<16xi32>
    tpu.vector_store %arg5[%swap3A_27], %swap3A_30 {strides = array<i32>} : memref<512xi32, #tpu.memory_space<vmem>>, vector<16xi32>,
    %get3A_31 = arith.constant 48 : index
    %get3A_32 = tpu.vector_load %arg5[%get3A_31] {strides = array<i32>} : memref<512xi32, #tpu.memory_space<vmem>>, vector<16xi32>,
    %get3A_33 = vector.shape_cast %get3A_32 : vector<16xi32> to vector<16xi32>
    %add3A_34 = arith.constant 1 : i32
    %add3A_35 = vector.broadcast %add3A_34 : i32 to vector<16xi32>
    %add3A_36 = arith.addi %get3A_33, %add3A_35 : vector<16xi32>
    %swap3A_37 = arith.constant 48 : index
    %swap3A_38 = tpu.vector_load %arg5[%swap3A_37] {strides = array<i32>} : memref<512xi32, #tpu.memory_space<vmem>>, vector<16xi32>,
    %swap3A_39 = vector.shape_cast %swap3A_38 : vector<16xi32> to vector<16xi32>
    %swap3A_40 = vector.shape_cast %add3A_36 : vector<16xi32> to vector<16xi32>
    tpu.vector_store %arg5[%swap3A_37], %swap3A_40 {strides = array<i32>} : memref<512xi32, #tpu.memory_space<vmem>>, vector<16xi32>,
    %get3A_41 = arith.constant 64 : index
    %get3A_42 = tpu.vector_load %arg5[%get3A_41] {strides = array<i32>} : memref<512xi32, #tpu.memory_space<vmem>>, vector<16xi32>,
    %get3A_43 = vector.shape_cast %get3A_42 : vector<16xi32> to vector<16xi32>
    %add3A_44 = arith.constant 1 : i32
    %add3A_45 = vector.broadcast %add3A_44 : i32 to vector<16xi32>
    %add3A_46 = arith.addi %get3A_43, %add3A_45 : vector<16xi32>
    %swap3A_47 = arith.constant 64 : index
    %swap3A_48 = tpu.vector_load %arg5[%swap3A_47] {strides = array<i32>} : memref<512xi32, #tpu.memory_space<vmem>>, vector<16xi32>,
    %swap3A_49 = vector.shape_cast %swap3A_48 : vector<16xi32> to vector<16xi32>
    %swap3A_50 = vector.shape_cast %add3A_46 : vector<16xi32> to vector<16xi32>
    tpu.vector_store %arg5[%swap3A_47], %swap3A_50 {strides = array<i32>} : memref<512xi32, #tpu.memory_space<vmem>>, vector<16xi32>,
    %get3A_51 = arith.constant 80 : index
    %get3A_52 = tpu.vector_load %arg5[%get3A_51] {strides = array<i32>} : memref<512xi32, #tpu.memory_space<vmem>>, vector<16xi32>,
    %get3A_53 = vector.shape_cast %get3A_52 : vector<16xi32> to vector<16xi32>
    %add3A_54 = arith.constant 1 : i32
    %add3A_55 = vector.broadcast %add3A_54 : i32 to vector<16xi32>
    %add3A_56 = arith.addi %get3A_53, %add3A_55 : vector<16xi32>
    %swap3A_57 = arith.constant 80 : index
    %swap3A_58 = tpu.vector_load %arg5[%swap3A_57] {strides = array<i32>} : memref<512xi32, #tpu.memory_space<vmem>>, vector<16xi32>,
    %swap3A_59 = vector.shape_cast %swap3A_58 : vector<16xi32> to vector<16xi32>
    %swap3A_60 = vector.shape_cast %add3A_56 : vector<16xi32> to vector<16xi32>
    tpu.vector_store %arg5[%swap3A_57], %swap3A_60 {strides = array<i32>} : memref<512xi32, #tpu.memory_space<vmem>>, vector<16xi32>,
    %get3A_61 = arith.constant 96 : index
    %get3A_62 = tpu.vector_load %arg5[%get3A_61] {strides = array<i32>} : memref<512xi32, #tpu.memory_space<vmem>>, vector<16xi32>,
    %get3A_63 = vector.shape_cast %get3A_62 : vector<16xi32> to vector<16xi32>
    %add3A_64 = arith.constant 1 : i32
    %add3A_65 = vector.broadcast %add3A_64 : i32 to vector<16xi32>
    %add3A_66 = arith.addi %get3A_63, %add3A_65 : vector<16xi32>
    %swap3A_67 = arith.constant 96 : index
    %swap3A_68 = tpu.vector_load %arg5[%swap3A_67] {strides = array<i32>} : memref<512xi32, #tpu.memory_space<vmem>>, vector<16xi32>,
    %swap3A_69 = vector.shape_cast %swap3A_68 : vector<16xi32> to vector<16xi32>
    %swap3A_70 = vector.shape_cast %add3A_66 : vector<16xi32> to vector<16xi32>
    tpu.vector_store %arg5[%swap3A_67], %swap3A_70 {strides = array<i32>} : memref<512xi32, #tpu.memory_space<vmem>>, vector<16xi32>,
    %get3A_71 = arith.constant 112 : index
    %get3A_72 = tpu.vector_load %arg5[%get3A_71] {strides = array<i32>} : memref<512xi32, #tpu.memory_space<vmem>>, vector<16xi32>,
    %get3A_73 = vector.shape_cast %get3A_72 : vector<16xi32> to vector<16xi32>
    %add3A_74 = arith.constant 1 : i32
    %add3A_75 = vector.broadcast %add3A_74 : i32 to vector<16xi32>
    %add3A_76 = arith.addi %get3A_73, %add3A_75 : vector<16xi32>
    %swap3A_77 = arith.constant 112 : index
    %swap3A_78 = tpu.vector_load %arg5[%swap3A_77] {strides = array<i32>} : memref<512xi32, #tpu.memory_space<vmem>>, vector<16xi32>,
    %swap3A_79 = vector.shape_cast %swap3A_78 : vector<16xi32> to vector<16xi32>
    %swap3A_80 = vector.shape_cast %add3A_76 : vector<16xi32> to vector<16xi32>
    tpu.vector_store %arg5[%swap3A_77], %swap3A_80 {strides = array<i32>} : memref<512xi32, #tpu.memory_space<vmem>>, vector<16xi32>,
    %get3A_81 = arith.constant 128 : index
    %get3A_82 = tpu.vector_load %arg5[%get3A_81] {strides = array<i32>} : memref<512xi32, #tpu.memory_space<vmem>>, vector<16xi32>,
    %get3A_83 = vector.shape_cast %get3A_82 : vector<16xi32> to vector<16xi32>
    %add3A_84 = arith.constant 1 : i32
    %add3A_85 = vector.broadcast %add3A_84 : i32 to vector<16xi32>
    %add3A_86 = arith.addi %get3A_83, %add3A_85 : vector<16xi32>
    %swap3A_87 = arith.constant 128 : index
    %swap3A_88 = tpu.vector_load %arg5[%swap3A_87] {strides = array<i32>} : memref<512xi32, #tpu.memory_space<vmem>>, vector<16xi32>,
    %swap3A_89 = vector.shape_cast %swap3A_88 : vector<16xi32> to vector<16xi32>
    %swap3A_90 = vector.shape_cast %add3A_86 : vector<16xi32> to vector<16xi32>
    tpu.vector_store %arg5[%swap3A_87], %swap3A_90 {strides = array<i32>} : memref<512xi32, #tpu.memory_space<vmem>>, vector<16xi32>,
    %get3A_91 = arith.constant 144 : index
    %get3A_92 = tpu.vector_load %arg5[%get3A_91] {strides = array<i32>} : memref<512xi32, #tpu.memory_space<vmem>>, vector<16xi32>,
    %get3A_93 = vector.shape_cast %get3A_92 : vector<16xi32> to vector<16xi32>
    %add3A_94 = arith.constant 1 : i32
    %add3A_95 = vector.broadcast %add3A_94 : i32 to vector<16xi32>
    %add3A_96 = arith.addi %get3A_93, %add3A_95 : vector<16xi32>
    %swap3A_97 = arith.constant 144 : index
    %swap3A_98 = tpu.vector_load %arg5[%swap3A_97] {strides = array<i32>} : memref<512xi32, #tpu.memory_space<vmem>>, vector<16xi32>,
    %swap3A_99 = vector.shape_cast %swap3A_98 : vector<16xi32> to vector<16xi32>
    %swap3A_100 = vector.shape_cast %add3A_96 : vector<16xi32> to vector<16xi32>
    tpu.vector_store %arg5[%swap3A_97], %swap3A_100 {strides = array<i32>} : memref<512xi32, #tpu.memory_space<vmem>>, vector<16xi32>,
    %get3A_101 = arith.constant 160 : index
    %get3A_102 = tpu.vector_load %arg5[%get3A_101] {strides = array<i32>} : memref<512xi32, #tpu.memory_space<vmem>>, vector<16xi32>,
    %get3A_103 = vector.shape_cast %get3A_102 : vector<16xi32> to vector<16xi32>
    %add3A_104 = arith.constant 1 : i32
    %add3A_105 = vector.broadcast %add3A_104 : i32 to vector<16xi32>
    %add3A_106 = arith.addi %get3A_103, %add3A_105 : vector<16xi32>
    %swap3A_107 = arith.constant 160 : index
    %swap3A_108 = tpu.vector_load %arg5[%swap3A_107] {strides = array<i32>} : memref<512xi32, #tpu.memory_space<vmem>>, vector<16xi32>,
    %swap3A_109 = vector.shape_cast %swap3A_108 : vector<16xi32> to vector<16xi32>
    %swap3A_110 = vector.shape_cast %add3A_106 : vector<16xi32> to vector<16xi32>
    tpu.vector_store %arg5[%swap3A_107], %swap3A_110 {strides = array<i32>} : memref<512xi32, #tpu.memory_space<vmem>>, vector<16xi32>,
    %get3A_111 = arith.constant 176 : index
    %get3A_112 = tpu.vector_load %arg5[%get3A_111] {strides = array<i32>} : memref<512xi32, #tpu.memory_space<vmem>>, vector<16xi32>,
    %get3A_113 = vector.shape_cast %get3A_112 : vector<16xi32> to vector<16xi32>
    %add3A_114 = arith.constant 1 : i32
    %add3A_115 = vector.broadcast %add3A_114 : i32 to vector<16xi32>
    %add3A_116 = arith.addi %get3A_113, %add3A_115 : vector<16xi32>
    %swap3A_117 = arith.constant 176 : index
    %swap3A_118 = tpu.vector_load %arg5[%swap3A_117] {strides = array<i32>} : memref<512xi32, #tpu.memory_space<vmem>>, vector<16xi32>,
    %swap3A_119 = vector.shape_cast %swap3A_118 : vector<16xi32> to vector<16xi32>
    %swap3A_120 = vector.shape_cast %add3A_116 : vector<16xi32> to vector<16xi32>
    tpu.vector_store %arg5[%swap3A_117], %swap3A_120 {strides = array<i32>} : memref<512xi32, #tpu.memory_space<vmem>>, vector<16xi32>,
    %get3A_121 = arith.constant 192 : index
    %get3A_122 = tpu.vector_load %arg5[%get3A_121] {strides = array<i32>} : memref<512xi32, #tpu.memory_space<vmem>>, vector<16xi32>,
    %get3A_123 = vector.shape_cast %get3A_122 : vector<16xi32> to vector<16xi32>
    %add3A_124 = arith.constant 1 : i32
    %add3A_125 = vector.broadcast %add3A_124 : i32 to vector<16xi32>
    %add3A_126 = arith.addi %get3A_123, %add3A_125 : vector<16xi32>
    %swap3A_127 = arith.constant 192 : index
    %swap3A_128 = tpu.vector_load %arg5[%swap3A_127] {strides = array<i32>} : memref<512xi32, #tpu.memory_space<vmem>>, vector<16xi32>,
    %swap3A_129 = vector.shape_cast %swap3A_128 : vector<16xi32> to vector<16xi32>
    %swap3A_130 = vector.shape_cast %add3A_126 : vector<16xi32> to vector<16xi32>
    tpu.vector_store %arg5[%swap3A_127], %swap3A_130 {strides = array<i32>} : memref<512xi32, #tpu.memory_space<vmem>>, vector<16xi32>,
    %get3A_131 = arith.constant 208 : index
    %get3A_132 = tpu.vector_load %arg5[%get3A_131] {strides = array<i32>} : memref<512xi32, #tpu.memory_space<vmem>>, vector<16xi32>,
    %get3A_133 = vector.shape_cast %get3A_132 : vector<16xi32> to vector<16xi32>
    %add3A_134 = arith.constant 1 : i32
    %add3A_135 = vector.broadcast %add3A_134 : i32 to vector<16xi32>
    %add3A_136 = arith.addi %get3A_133, %add3A_135 : vector<16xi32>
    %swap3A_137 = arith.constant 208 : index
    %swap3A_138 = tpu.vector_load %arg5[%swap3A_137] {strides = array<i32>} : memref<512xi32, #tpu.memory_space<vmem>>, vector<16xi32>,
    %swap3A_139 = vector.shape_cast %swap3A_138 : vector<16xi32> to vector<16xi32>
    %swap3A_140 = vector.shape_cast %add3A_136 : vector<16xi32> to vector<16xi32>
    tpu.vector_store %arg5[%swap3A_137], %swap3A_140 {strides = array<i32>} : memref<512xi32, #tpu.memory_space<vmem>>, vector<16xi32>,
    %get3A_141 = arith.constant 224 : index
    %get3A_142 = tpu.vector_load %arg5[%get3A_141] {strides = array<i32>} : memref<512xi32, #tpu.memory_space<vmem>>, vector<16xi32>,
    %get3A_143 = vector.shape_cast %get3A_142 : vector<16xi32> to vector<16xi32>
    %add3A_144 = arith.constant 1 : i32
    %add3A_145 = vector.broadcast %add3A_144 : i32 to vector<16xi32>
    %add3A_146 = arith.addi %get3A_143, %add3A_145 : vector<16xi32>
    %swap3A_147 = arith.constant 224 : index
    %swap3A_148 = tpu.vector_load %arg5[%swap3A_147] {strides = array<i32>} : memref<512xi32, #tpu.memory_space<vmem>>, vector<16xi32>,
    %swap3A_149 = vector.shape_cast %swap3A_148 : vector<16xi32> to vector<16xi32>
    %swap3A_150 = vector.shape_cast %add3A_146 : vector<16xi32> to vector<16xi32>
    tpu.vector_store %arg5[%swap3A_147], %swap3A_150 {strides = array<i32>} : memref<512xi32, #tpu.memory_space<vmem>>, vector<16xi32>,
    %get3A_151 = arith.constant 240 : index
    %get3A_152 = tpu.vector_load %arg5[%get3A_151] {strides = array<i32>} : memref<512xi32, #tpu.memory_space<vmem>>, vector<16xi32>,
    %get3A_153 = vector.shape_cast %get3A_152 : vector<16xi32> to vector<16xi32>
    %add3A_154 = arith.constant 1 : i32
    %add3A_155 = vector.broadcast %add3A_154 : i32 to vector<16xi32>
    %add3A_156 = arith.addi %get3A_153, %add3A_155 : vector<16xi32>
    %swap3A_157 = arith.constant 240 : index
    %swap3A_158 = tpu.vector_load %arg5[%swap3A_157] {strides = array<i32>} : memref<512xi32, #tpu.memory_space<vmem>>, vector<16xi32>,
    %swap3A_159 = vector.shape_cast %swap3A_158 : vector<16xi32> to vector<16xi32>
    %swap3A_160 = vector.shape_cast %add3A_156 : vector<16xi32> to vector<16xi32>
    tpu.vector_store %arg5[%swap3A_157], %swap3A_160 {strides = array<i32>} : memref<512xi32, #tpu.memory_space<vmem>>, vector<16xi32>,
    %get3A_161 = arith.constant 256 : index
    %get3A_162 = tpu.vector_load %arg5[%get3A_161] {strides = array<i32>} : memref<512xi32, #tpu.memory_space<vmem>>, vector<16xi32>,
    %get3A_163 = vector.shape_cast %get3A_162 : vector<16xi32> to vector<16xi32>
    %add3A_164 = arith.constant 1 : i32
    %add3A_165 = vector.broadcast %add3A_164 : i32 to vector<16xi32>
    %add3A_166 = arith.addi %get3A_163, %add3A_165 : vector<16xi32>
    %swap3A_167 = arith.constant 256 : index
    %swap3A_168 = tpu.vector_load %arg5[%swap3A_167] {strides = array<i32>} : memref<512xi32, #tpu.memory_space<vmem>>, vector<16xi32>,
    %swap3A_169 = vector.shape_cast %swap3A_168 : vector<16xi32> to vector<16xi32>
    %swap3A_170 = vector.shape_cast %add3A_166 : vector<16xi32> to vector<16xi32>
    tpu.vector_store %arg5[%swap3A_167], %swap3A_170 {strides = array<i32>} : memref<512xi32, #tpu.memory_space<vmem>>, vector<16xi32>,
    %get3A_171 = arith.constant 272 : index
    %get3A_172 = tpu.vector_load %arg5[%get3A_171] {strides = array<i32>} : memref<512xi32, #tpu.memory_space<vmem>>, vector<16xi32>,
    %get3A_173 = vector.shape_cast %get3A_172 : vector<16xi32> to vector<16xi32>
    %add3A_174 = arith.constant 1 : i32
    %add3A_175 = vector.broadcast %add3A_174 : i32 to vector<16xi32>
    %add3A_176 = arith.addi %get3A_173, %add3A_175 : vector<16xi32>
    %swap3A_177 = arith.constant 272 : index
    %swap3A_178 = tpu.vector_load %arg5[%swap3A_177] {strides = array<i32>} : memref<512xi32, #tpu.memory_space<vmem>>, vector<16xi32>,
    %swap3A_179 = vector.shape_cast %swap3A_178 : vector<16xi32> to vector<16xi32>
    %swap3A_180 = vector.shape_cast %add3A_176 : vector<16xi32> to vector<16xi32>
    tpu.vector_store %arg5[%swap3A_177], %swap3A_180 {strides = array<i32>} : memref<512xi32, #tpu.memory_space<vmem>>, vector<16xi32>,
    %get3A_181 = arith.constant 288 : index
    %get3A_182 = tpu.vector_load %arg5[%get3A_181] {strides = array<i32>} : memref<512xi32, #tpu.memory_space<vmem>>, vector<16xi32>,
    %get3A_183 = vector.shape_cast %get3A_182 : vector<16xi32> to vector<16xi32>
    %add3A_184 = arith.constant 1 : i32
    %add3A_185 = vector.broadcast %add3A_184 : i32 to vector<16xi32>
    %add3A_186 = arith.addi %get3A_183, %add3A_185 : vector<16xi32>
    %swap3A_187 = arith.constant 288 : index
    %swap3A_188 = tpu.vector_load %arg5[%swap3A_187] {strides = array<i32>} : memref<512xi32, #tpu.memory_space<vmem>>, vector<16xi32>,
    %swap3A_189 = vector.shape_cast %swap3A_188 : vector<16xi32> to vector<16xi32>
    %swap3A_190 = vector.shape_cast %add3A_186 : vector<16xi32> to vector<16xi32>
    tpu.vector_store %arg5[%swap3A_187], %swap3A_190 {strides = array<i32>} : memref<512xi32, #tpu.memory_space<vmem>>, vector<16xi32>,
    %get3A_191 = arith.constant 304 : index
    %get3A_192 = tpu.vector_load %arg5[%get3A_191] {strides = array<i32>} : memref<512xi32, #tpu.memory_space<vmem>>, vector<16xi32>,
    %get3A_193 = vector.shape_cast %get3A_192 : vector<16xi32> to vector<16xi32>
    %add3A_194 = arith.constant 1 : i32
    %add3A_195 = vector.broadcast %add3A_194 : i32 to vector<16xi32>
    %add3A_196 = arith.addi %get3A_193, %add3A_195 : vector<16xi32>
    %swap3A_197 = arith.constant 304 : index
    %swap3A_198 = tpu.vector_load %arg5[%swap3A_197] {strides = array<i32>} : memref<512xi32, #tpu.memory_space<vmem>>, vector<16xi32>,
    %swap3A_199 = vector.shape_cast %swap3A_198 : vector<16xi32> to vector<16xi32>
    %swap3A_200 = vector.shape_cast %add3A_196 : vector<16xi32> to vector<16xi32>
    tpu.vector_store %arg5[%swap3A_197], %swap3A_200 {strides = array<i32>} : memref<512xi32, #tpu.memory_space<vmem>>, vector<16xi32>,
    %get3A_201 = arith.constant 320 : index
    %get3A_202 = tpu.vector_load %arg5[%get3A_201] {strides = array<i32>} : memref<512xi32, #tpu.memory_space<vmem>>, vector<16xi32>,
    %get3A_203 = vector.shape_cast %get3A_202 : vector<16xi32> to vector<16xi32>
    %add3A_204 = arith.constant 1 : i32
    %add3A_205 = vector.broadcast %add3A_204 : i32 to vector<16xi32>
    %add3A_206 = arith.addi %get3A_203, %add3A_205 : vector<16xi32>
    %swap3A_207 = arith.constant 320 : index
    %swap3A_208 = tpu.vector_load %arg5[%swap3A_207] {strides = array<i32>} : memref<512xi32, #tpu.memory_space<vmem>>, vector<16xi32>,
    %swap3A_209 = vector.shape_cast %swap3A_208 : vector<16xi32> to vector<16xi32>
    %swap3A_210 = vector.shape_cast %add3A_206 : vector<16xi32> to vector<16xi32>
    tpu.vector_store %arg5[%swap3A_207], %swap3A_210 {strides = array<i32>} : memref<512xi32, #tpu.memory_space<vmem>>, vector<16xi32>,
    %get3A_211 = arith.constant 336 : index
    %get3A_212 = tpu.vector_load %arg5[%get3A_211] {strides = array<i32>} : memref<512xi32, #tpu.memory_space<vmem>>, vector<16xi32>,
    %get3A_213 = vector.shape_cast %get3A_212 : vector<16xi32> to vector<16xi32>
    %add3A_214 = arith.constant 1 : i32
    %add3A_215 = vector.broadcast %add3A_214 : i32 to vector<16xi32>
    %add3A_216 = arith.addi %get3A_213, %add3A_215 : vector<16xi32>
    %swap3A_217 = arith.constant 336 : index
    %swap3A_218 = tpu.vector_load %arg5[%swap3A_217] {strides = array<i32>} : memref<512xi32, #tpu.memory_space<vmem>>, vector<16xi32>,
    %swap3A_219 = vector.shape_cast %swap3A_218 : vector<16xi32> to vector<16xi32>
    %swap3A_220 = vector.shape_cast %add3A_216 : vector<16xi32> to vector<16xi32>
    tpu.vector_store %arg5[%swap3A_217], %swap3A_220 {strides = array<i32>} : memref<512xi32, #tpu.memory_space<vmem>>, vector<16xi32>,
    %get3A_221 = arith.constant 352 : index
    %get3A_222 = tpu.vector_load %arg5[%get3A_221] {strides = array<i32>} : memref<512xi32, #tpu.memory_space<vmem>>, vector<16xi32>,
    %get3A_223 = vector.shape_cast %get3A_222 : vector<16xi32> to vector<16xi32>
    %add3A_224 = arith.constant 1 : i32
    %add3A_225 = vector.broadcast %add3A_224 : i32 to vector<16xi32>
    %add3A_226 = arith.addi %get3A_223, %add3A_225 : vector<16xi32>
    %swap3A_227 = arith.constant 352 : index
    %swap3A_228 = tpu.vector_load %arg5[%swap3A_227] {strides = array<i32>} : memref<512xi32, #tpu.memory_space<vmem>>, vector<16xi32>,
    %swap3A_229 = vector.shape_cast %swap3A_228 : vector<16xi32> to vector<16xi32>
    %swap3A_230 = vector.shape_cast %add3A_226 : vector<16xi32> to vector<16xi32>
    tpu.vector_store %arg5[%swap3A_227], %swap3A_230 {strides = array<i32>} : memref<512xi32, #tpu.memory_space<vmem>>, vector<16xi32>,
    %get3A_231 = arith.constant 368 : index
    %get3A_232 = tpu.vector_load %arg5[%get3A_231] {strides = array<i32>} : memref<512xi32, #tpu.memory_space<vmem>>, vector<16xi32>,
    %get3A_233 = vector.shape_cast %get3A_232 : vector<16xi32> to vector<16xi32>
    %add3A_234 = arith.constant 1 : i32
    %add3A_235 = vector.broadcast %add3A_234 : i32 to vector<16xi32>
    %add3A_236 = arith.addi %get3A_233, %add3A_235 : vector<16xi32>
    %swap3A_237 = arith.constant 368 : index
    %swap3A_238 = tpu.vector_load %arg5[%swap3A_237] {strides = array<i32>} : memref<512xi32, #tpu.memory_space<vmem>>, vector<16xi32>,
    %swap3A_239 = vector.shape_cast %swap3A_238 : vector<16xi32> to vector<16xi32>
    %swap3A_240 = vector.shape_cast %add3A_236 : vector<16xi32> to vector<16xi32>
    tpu.vector_store %arg5[%swap3A_237], %swap3A_240 {strides = array<i32>} : memref<512xi32, #tpu.memory_space<vmem>>, vector<16xi32>,
    %get3A_241 = arith.constant 384 : index
    %get3A_242 = tpu.vector_load %arg5[%get3A_241] {strides = array<i32>} : memref<512xi32, #tpu.memory_space<vmem>>, vector<16xi32>,
    %get3A_243 = vector.shape_cast %get3A_242 : vector<16xi32> to vector<16xi32>
    %add3A_244 = arith.constant 1 : i32
    %add3A_245 = vector.broadcast %add3A_244 : i32 to vector<16xi32>
    %add3A_246 = arith.addi %get3A_243, %add3A_245 : vector<16xi32>
    %swap3A_247 = arith.constant 384 : index
    %swap3A_248 = tpu.vector_load %arg5[%swap3A_247] {strides = array<i32>} : memref<512xi32, #tpu.memory_space<vmem>>, vector<16xi32>,
    %swap3A_249 = vector.shape_cast %swap3A_248 : vector<16xi32> to vector<16xi32>
    %swap3A_250 = vector.shape_cast %add3A_246 : vector<16xi32> to vector<16xi32>
    tpu.vector_store %arg5[%swap3A_247], %swap3A_250 {strides = array<i32>} : memref<512xi32, #tpu.memory_space<vmem>>, vector<16xi32>,
    %get3A_251 = arith.constant 400 : index
    %get3A_252 = tpu.vector_load %arg5[%get3A_251] {strides = array<i32>} : memref<512xi32, #tpu.memory_space<vmem>>, vector<16xi32>,
    %get3A_253 = vector.shape_cast %get3A_252 : vector<16xi32> to vector<16xi32>
    %add3A_254 = arith.constant 1 : i32
    %add3A_255 = vector.broadcast %add3A_254 : i32 to vector<16xi32>
    %add3A_256 = arith.addi %get3A_253, %add3A_255 : vector<16xi32>
    %swap3A_257 = arith.constant 400 : index
    %swap3A_258 = tpu.vector_load %arg5[%swap3A_257] {strides = array<i32>} : memref<512xi32, #tpu.memory_space<vmem>>, vector<16xi32>,
    %swap3A_259 = vector.shape_cast %swap3A_258 : vector<16xi32> to vector<16xi32>
    %swap3A_260 = vector.shape_cast %add3A_256 : vector<16xi32> to vector<16xi32>
    tpu.vector_store %arg5[%swap3A_257], %swap3A_260 {strides = array<i32>} : memref<512xi32, #tpu.memory_space<vmem>>, vector<16xi32>,
    %get3A_261 = arith.constant 416 : index
    %get3A_262 = tpu.vector_load %arg5[%get3A_261] {strides = array<i32>} : memref<512xi32, #tpu.memory_space<vmem>>, vector<16xi32>,
    %get3A_263 = vector.shape_cast %get3A_262 : vector<16xi32> to vector<16xi32>
    %add3A_264 = arith.constant 1 : i32
    %add3A_265 = vector.broadcast %add3A_264 : i32 to vector<16xi32>
    %add3A_266 = arith.addi %get3A_263, %add3A_265 : vector<16xi32>
    %swap3A_267 = arith.constant 416 : index
    %swap3A_268 = tpu.vector_load %arg5[%swap3A_267] {strides = array<i32>} : memref<512xi32, #tpu.memory_space<vmem>>, vector<16xi32>,
    %swap3A_269 = vector.shape_cast %swap3A_268 : vector<16xi32> to vector<16xi32>
    %swap3A_270 = vector.shape_cast %add3A_266 : vector<16xi32> to vector<16xi32>
    tpu.vector_store %arg5[%swap3A_267], %swap3A_270 {strides = array<i32>} : memref<512xi32, #tpu.memory_space<vmem>>, vector<16xi32>,
    %get3A_271 = arith.constant 432 : index
    %get3A_272 = tpu.vector_load %arg5[%get3A_271] {strides = array<i32>} : memref<512xi32, #tpu.memory_space<vmem>>, vector<16xi32>,
    %get3A_273 = vector.shape_cast %get3A_272 : vector<16xi32> to vector<16xi32>
    %add3A_274 = arith.constant 1 : i32
    %add3A_275 = vector.broadcast %add3A_274 : i32 to vector<16xi32>
    %add3A_276 = arith.addi %get3A_273, %add3A_275 : vector<16xi32>
    %swap3A_277 = arith.constant 432 : index
    %swap3A_278 = tpu.vector_load %arg5[%swap3A_277] {strides = array<i32>} : memref<512xi32, #tpu.memory_space<vmem>>, vector<16xi32>,
    %swap3A_279 = vector.shape_cast %swap3A_278 : vector<16xi32> to vector<16xi32>
    %swap3A_280 = vector.shape_cast %add3A_276 : vector<16xi32> to vector<16xi32>
    tpu.vector_store %arg5[%swap3A_277], %swap3A_280 {strides = array<i32>} : memref<512xi32, #tpu.memory_space<vmem>>, vector<16xi32>,
    %get3A_281 = arith.constant 448 : index
    %get3A_282 = tpu.vector_load %arg5[%get3A_281] {strides = array<i32>} : memref<512xi32, #tpu.memory_space<vmem>>, vector<16xi32>,
    %get3A_283 = vector.shape_cast %get3A_282 : vector<16xi32> to vector<16xi32>
    %add3A_284 = arith.constant 1 : i32
    %add3A_285 = vector.broadcast %add3A_284 : i32 to vector<16xi32>
    %add3A_286 = arith.addi %get3A_283, %add3A_285 : vector<16xi32>
    %swap3A_287 = arith.constant 448 : index
    %swap3A_288 = tpu.vector_load %arg5[%swap3A_287] {strides = array<i32>} : memref<512xi32, #tpu.memory_space<vmem>>, vector<16xi32>,
    %swap3A_289 = vector.shape_cast %swap3A_288 : vector<16xi32> to vector<16xi32>
    %swap3A_290 = vector.shape_cast %add3A_286 : vector<16xi32> to vector<16xi32>
    tpu.vector_store %arg5[%swap3A_287], %swap3A_290 {strides = array<i32>} : memref<512xi32, #tpu.memory_space<vmem>>, vector<16xi32>,
    %get3A_291 = arith.constant 464 : index
    %get3A_292 = tpu.vector_load %arg5[%get3A_291] {strides = array<i32>} : memref<512xi32, #tpu.memory_space<vmem>>, vector<16xi32>,
    %get3A_293 = vector.shape_cast %get3A_292 : vector<16xi32> to vector<16xi32>
    %add3A_294 = arith.constant 1 : i32
    %add3A_295 = vector.broadcast %add3A_294 : i32 to vector<16xi32>
    %add3A_296 = arith.addi %get3A_293, %add3A_295 : vector<16xi32>
    %swap3A_297 = arith.constant 464 : index
    %swap3A_298 = tpu.vector_load %arg5[%swap3A_297] {strides = array<i32>} : memref<512xi32, #tpu.memory_space<vmem>>, vector<16xi32>,
    %swap3A_299 = vector.shape_cast %swap3A_298 : vector<16xi32> to vector<16xi32>
    %swap3A_300 = vector.shape_cast %add3A_296 : vector<16xi32> to vector<16xi32>
    tpu.vector_store %arg5[%swap3A_297], %swap3A_300 {strides = array<i32>} : memref<512xi32, #tpu.memory_space<vmem>>, vector<16xi32>,
    %get3A_301 = arith.constant 480 : index
    %get3A_302 = tpu.vector_load %arg5[%get3A_301] {strides = array<i32>} : memref<512xi32, #tpu.memory_space<vmem>>, vector<16xi32>,
    %get3A_303 = vector.shape_cast %get3A_302 : vector<16xi32> to vector<16xi32>
    %add3A_304 = arith.constant 1 : i32
    %add3A_305 = vector.broadcast %add3A_304 : i32 to vector<16xi32>
    %add3A_306 = arith.addi %get3A_303, %add3A_305 : vector<16xi32>
    %swap3A_307 = arith.constant 480 : index
    %swap3A_308 = tpu.vector_load %arg5[%swap3A_307] {strides = array<i32>} : memref<512xi32, #tpu.memory_space<vmem>>, vector<16xi32>,
    %swap3A_309 = vector.shape_cast %swap3A_308 : vector<16xi32> to vector<16xi32>
    %swap3A_310 = vector.shape_cast %add3A_306 : vector<16xi32> to vector<16xi32>
    tpu.vector_store %arg5[%swap3A_307], %swap3A_310 {strides = array<i32>} : memref<512xi32, #tpu.memory_space<vmem>>, vector<16xi32>,
    %get3A_311 = arith.constant 496 : index
    %get3A_312 = tpu.vector_load %arg5[%get3A_311] {strides = array<i32>} : memref<512xi32, #tpu.memory_space<vmem>>, vector<16xi32>,
    %get3A_313 = vector.shape_cast %get3A_312 : vector<16xi32> to vector<16xi32>
    %add3A_314 = arith.constant 1 : i32
    %add3A_315 = vector.broadcast %add3A_314 : i32 to vector<16xi32>
    %add3A_316 = arith.addi %get3A_313, %add3A_315 : vector<16xi32>
    %swap3A_317 = arith.constant 496 : index
    %swap3A_318 = tpu.vector_load %arg5[%swap3A_317] {strides = array<i32>} : memref<512xi32, #tpu.memory_space<vmem>>, vector<16xi32>,
    %swap3A_319 = vector.shape_cast %swap3A_318 : vector<16xi32> to vector<16xi32>
    %swap3A_320 = vector.shape_cast %add3A_316 : vector<16xi32> to vector<16xi32>
    tpu.vector_store %arg5[%swap3A_317], %swap3A_320 {strides = array<i32>} : memref<512xi32, #tpu.memory_space<vmem>>, vector<16xi32>,
    %dma_start3A = arith.constant 0 : i32
    %dma_start3A_321 = arith.constant 0 : i32
    %dma_start3A_322 = tpu.memref_slice %arg6[%dma_start3A, %dma_start3A_321] : memref<512x128xf32, #tpu.memory_space<vmem>> -> memref<128x128xf32, #tpu.memory_space<vmem>>
    %dma_start3A_323 = arith.constant 0 : i32
    %dma_start3A_324 = tpu.memref_slice %arg5[%dma_start3A_323] : memref<512xi32, #tpu.memory_space<vmem>> -> memref<128xi32, #tpu.memory_space<vmem>>
    %dma_start3A_325 = arith.constant 0 : i32
    %dma_start3A_326 = arith.constant 0 : i32
    %dma_start3A_327 = tpu.memref_slice %arg3[%dma_start3A_325, %dma_start3A_326] : memref<1000001x128xf32, #tpu.memory_space<hbm>> -> memref<1000001x128xf32, #tpu.memory_space<hbm>>
    tpu.enqueue_indirect_dma source(%dma_start3A_327 : memref<1000001x128xf32, #tpu.memory_space<hbm>>) target(%dma_start3A_322 : memref<128x128xf32, #tpu.memory_space<vmem>>) offsets(%dma_start3A_324 : memref<128xi32, #tpu.memory_space<vmem>>) semaphore(%arg7 : memref<!tpu.dma_semaphore, #tpu.memory_space<semaphore_mem>>)
    %dma_start3A_328 = arith.constant 128 : i32
    %dma_start3A_329 = arith.constant 0 : i32
    %dma_start3A_330 = tpu.memref_slice %arg6[%dma_start3A_328, %dma_start3A_329] : memref<512x128xf32, #tpu.memory_space<vmem>> -> memref<128x128xf32, #tpu.memory_space<vmem>>
    %dma_start3A_331 = arith.constant 128 : i32
    %dma_start3A_332 = tpu.memref_slice %arg5[%dma_start3A_331] : memref<512xi32, #tpu.memory_space<vmem>> -> memref<128xi32, #tpu.memory_space<vmem>>
    %dma_start3A_333 = arith.constant 0 : i32
    %dma_start3A_334 = arith.constant 0 : i32
    %dma_start3A_335 = tpu.memref_slice %arg3[%dma_start3A_333, %dma_start3A_334] : memref<1000001x128xf32, #tpu.memory_space<hbm>> -> memref<1000001x128xf32, #tpu.memory_space<hbm>>
    tpu.enqueue_indirect_dma source(%dma_start3A_335 : memref<1000001x128xf32, #tpu.memory_space<hbm>>) target(%dma_start3A_330 : memref<128x128xf32, #tpu.memory_space<vmem>>) offsets(%dma_start3A_332 : memref<128xi32, #tpu.memory_space<vmem>>) semaphore(%arg7 : memref<!tpu.dma_semaphore, #tpu.memory_space<semaphore_mem>>)
    %dma_start3A_336 = arith.constant 256 : i32
    %dma_start3A_337 = arith.constant 0 : i32
    %dma_start3A_338 = tpu.memref_slice %arg6[%dma_start3A_336, %dma_start3A_337] : memref<512x128xf32, #tpu.memory_space<vmem>> -> memref<128x128xf32, #tpu.memory_space<vmem>>
    %dma_start3A_339 = arith.constant 256 : i32
    %dma_start3A_340 = tpu.memref_slice %arg5[%dma_start3A_339] : memref<512xi32, #tpu.memory_space<vmem>> -> memref<128xi32, #tpu.memory_space<vmem>>
    %dma_start3A_341 = arith.constant 0 : i32
    %dma_start3A_342 = arith.constant 0 : i32
    %dma_start3A_343 = tpu.memref_slice %arg3[%dma_start3A_341, %dma_start3A_342] : memref<1000001x128xf32, #tpu.memory_space<hbm>> -> memref<1000001x128xf32, #tpu.memory_space<hbm>>
    tpu.enqueue_indirect_dma source(%dma_start3A_343 : memref<1000001x128xf32, #tpu.memory_space<hbm>>) target(%dma_start3A_338 : memref<128x128xf32, #tpu.memory_space<vmem>>) offsets(%dma_start3A_340 : memref<128xi32, #tpu.memory_space<vmem>>) semaphore(%arg7 : memref<!tpu.dma_semaphore, #tpu.memory_space<semaphore_mem>>)
    %dma_start3A_344 = arith.constant 384 : i32
    %dma_start3A_345 = arith.constant 0 : i32
    %dma_start3A_346 = tpu.memref_slice %arg6[%dma_start3A_344, %dma_start3A_345] : memref<512x128xf32, #tpu.memory_space<vmem>> -> memref<128x128xf32, #tpu.memory_space<vmem>>
    %dma_start3A_347 = arith.constant 384 : i32
    %dma_start3A_348 = tpu.memref_slice %arg5[%dma_start3A_347] : memref<512xi32, #tpu.memory_space<vmem>> -> memref<128xi32, #tpu.memory_space<vmem>>
    %dma_start3A_349 = arith.constant 0 : i32
    %dma_start3A_350 = arith.constant 0 : i32
    %dma_start3A_351 = tpu.memref_slice %arg3[%dma_start3A_349, %dma_start3A_350] : memref<1000001x128xf32, #tpu.memory_space<hbm>> -> memref<1000001x128xf32, #tpu.memory_space<hbm>>
    tpu.enqueue_indirect_dma source(%dma_start3A_351 : memref<1000001x128xf32, #tpu.memory_space<hbm>>) target(%dma_start3A_346 : memref<128x128xf32, #tpu.memory_space<vmem>>) offsets(%dma_start3A_348 : memref<128xi32, #tpu.memory_space<vmem>>) semaphore(%arg7 : memref<!tpu.dma_semaphore, #tpu.memory_space<semaphore_mem>>)
    %dma_wait3A = arith.constant 0 : i32
    %dma_wait3A_352 = arith.constant 0 : i32
    %dma_wait3A_353 = tpu.memref_slice %arg6[%dma_wait3A, %dma_wait3A_352] : memref<512x128xf32, #tpu.memory_space<vmem>> -> memref<128x128xf32, #tpu.memory_space<vmem>>
    %dma_wait3A_354 = arith.constant 0 : i32
    %dma_wait3A_355 = tpu.memref_slice %arg5[%dma_wait3A_354] : memref<512xi32, #tpu.memory_space<vmem>> -> memref<128xi32, #tpu.memory_space<vmem>>
    %dma_wait3A_356 = arith.constant 0 : i32
    %dma_wait3A_357 = arith.constant 0 : i32
    %dma_wait3A_358 = tpu.memref_slice %arg3[%dma_wait3A_356, %dma_wait3A_357] : memref<1000001x128xf32, #tpu.memory_space<hbm>> -> memref<1000001x128xf32, #tpu.memory_space<hbm>>
    tpu.wait_indirect_dma semaphore(%arg7 : memref<!tpu.dma_semaphore, #tpu.memory_space<semaphore_mem>>) src(%dma_wait3A_358 : memref<1000001x128xf32, #tpu.memory_space<hbm>>) dst(%dma_wait3A_353 : memref<128x128xf32, #tpu.memory_space<vmem>>)
    %dma_wait3A_359 = arith.constant 128 : i32
    %dma_wait3A_360 = arith.constant 0 : i32
    %dma_wait3A_361 = tpu.memref_slice %arg6[%dma_wait3A_359, %dma_wait3A_360] : memref<512x128xf32, #tpu.memory_space<vmem>> -> memref<128x128xf32, #tpu.memory_space<vmem>>
    %dma_wait3A_362 = arith.constant 128 : i32
    %dma_wait3A_363 = tpu.memref_slice %arg5[%dma_wait3A_362] : memref<512xi32, #tpu.memory_space<vmem>> -> memref<128xi32, #tpu.memory_space<vmem>>
    %dma_wait3A_364 = arith.constant 0 : i32
    %dma_wait3A_365 = arith.constant 0 : i32
    %dma_wait3A_366 = tpu.memref_slice %arg3[%dma_wait3A_364, %dma_wait3A_365] : memref<1000001x128xf32, #tpu.memory_space<hbm>> -> memref<1000001x128xf32, #tpu.memory_space<hbm>>
    tpu.wait_indirect_dma semaphore(%arg7 : memref<!tpu.dma_semaphore, #tpu.memory_space<semaphore_mem>>) src(%dma_wait3A_366 : memref<1000001x128xf32, #tpu.memory_space<hbm>>) dst(%dma_wait3A_361 : memref<128x128xf32, #tpu.memory_space<vmem>>)
    %dma_wait3A_367 = arith.constant 256 : i32
    %dma_wait3A_368 = arith.constant 0 : i32
    %dma_wait3A_369 = tpu.memref_slice %arg6[%dma_wait3A_367, %dma_wait3A_368] : memref<512x128xf32, #tpu.memory_space<vmem>> -> memref<128x128xf32, #tpu.memory_space<vmem>>
    %dma_wait3A_370 = arith.constant 256 : i32
    %dma_wait3A_371 = tpu.memref_slice %arg5[%dma_wait3A_370] : memref<512xi32, #tpu.memory_space<vmem>> -> memref<128xi32, #tpu.memory_space<vmem>>
    %dma_wait3A_372 = arith.constant 0 : i32
    %dma_wait3A_373 = arith.constant 0 : i32
    %dma_wait3A_374 = tpu.memref_slice %arg3[%dma_wait3A_372, %dma_wait3A_373] : memref<1000001x128xf32, #tpu.memory_space<hbm>> -> memref<1000001x128xf32, #tpu.memory_space<hbm>>
    tpu.wait_indirect_dma semaphore(%arg7 : memref<!tpu.dma_semaphore, #tpu.memory_space<semaphore_mem>>) src(%dma_wait3A_374 : memref<1000001x128xf32, #tpu.memory_space<hbm>>) dst(%dma_wait3A_369 : memref<128x128xf32, #tpu.memory_space<vmem>>)
    %dma_wait3A_375 = arith.constant 384 : i32
    %dma_wait3A_376 = arith.constant 0 : i32
    %dma_wait3A_377 = tpu.memref_slice %arg6[%dma_wait3A_375, %dma_wait3A_376] : memref<512x128xf32, #tpu.memory_space<vmem>> -> memref<128x128xf32, #tpu.memory_space<vmem>>
    %dma_wait3A_378 = arith.constant 384 : i32
    %dma_wait3A_379 = tpu.memref_slice %arg5[%dma_wait3A_378] : memref<512xi32, #tpu.memory_space<vmem>> -> memref<128xi32, #tpu.memory_space<vmem>>
    %dma_wait3A_380 = arith.constant 0 : i32
    %dma_wait3A_381 = arith.constant 0 : i32
    %dma_wait3A_382 = tpu.memref_slice %arg3[%dma_wait3A_380, %dma_wait3A_381] : memref<1000001x128xf32, #tpu.memory_space<hbm>> -> memref<1000001x128xf32, #tpu.memory_space<hbm>>
    tpu.wait_indirect_dma semaphore(%arg7 : memref<!tpu.dma_semaphore, #tpu.memory_space<semaphore_mem>>) src(%dma_wait3A_382 : memref<1000001x128xf32, #tpu.memory_space<hbm>>) dst(%dma_wait3A_377 : memref<128x128xf32, #tpu.memory_space<vmem>>)
    "tpu.region"() ({
      %run_scoped3A = tpu.sem_alloc : memref<!tpu.dma_semaphore, #tpu.memory_space<semaphore_mem>>
      %dma_start3A_383 = arith.constant 0 : i32
      %dma_start3A_384 = tpu.memref_slice %arg4[%mul3A_2, %dma_start3A_383] : memref<16384x128xf32, #tpu.memory_space<hbm>> -> memref<512x128xf32, #tpu.memory_space<hbm>>
      %dma_start3A_385 = arith.constant 0 : i32
      %dma_start3A_386 = tpu.memref_slice %arg4[%mul3A_2, %dma_start3A_385] : memref<16384x128xf32, #tpu.memory_space<hbm>> -> memref<512x128xf32, #tpu.memory_space<hbm>>
      tpu.enqueue_dma source(%arg6 : memref<512x128xf32, #tpu.memory_space<vmem>>) target(%dma_start3A_386 : memref<512x128xf32, #tpu.memory_space<hbm>>) target_semaphore(%run_scoped3A : memref<!tpu.dma_semaphore, #tpu.memory_space<semaphore_mem>>)
      %dma_wait3A_387 = arith.constant 0 : i32
      %dma_wait3A_388 = tpu.memref_slice %arg4[%mul3A_2, %dma_wait3A_387] : memref<16384x128xf32, #tpu.memory_space<hbm>> -> memref<512x128xf32, #tpu.memory_space<hbm>>
      %dma_wait3A_389 = arith.constant 0 : i32
      %dma_wait3A_390 = tpu.memref_slice %arg4[%mul3A_2, %dma_wait3A_389] : memref<16384x128xf32, #tpu.memory_space<hbm>> -> memref<512x128xf32, #tpu.memory_space<hbm>>
      tpu.wait_dma2 semaphore(%run_scoped3A : memref<!tpu.dma_semaphore, #tpu.memory_space<semaphore_mem>>) src(%arg6 : memref<512x128xf32, #tpu.memory_space<vmem>>) dst(%dma_wait3A_390 : memref<512x128xf32, #tpu.memory_space<hbm>>)
      tpu.yield
    }) : () -> ()
    return
  }
}

</mosaic_0001>

<sc_bundles>
// kernel: kernel.3.cloned.1.call-start
scs
__scs_entry_jumppad:
0x0: {  	(pc) =	sbr.rel $0x88, $3  }
0x1: {  	(tag) =	ssettag $0x0;
	lr =	simm.s32 $0x1  }
0x2: {  	[smem:$0x3F9F] =	sst lr;
	_ =	strace $0xD0000000  }
0x3: {  	_ = 	snop  }
0x4: {  	_ = 	snop  }
0x5: {  	_ = 	snop  }
0x6: {  	_ = 	snop  }
0x7: {  	_ = 	snop  }
__scs_overlays_trampoline_lowered:
0x8: {  	[smem:$0x3FAE] =	sst s0  }
0x9: {  	[smem:$0x3FAF] =	sst s1  }
0xa: {  	[smem:$0x3FB0] =	sst s2  }
0xb: {  	[smem:$0x3FB1] =	sst s3  }
0xc: {  	[smem:$0x3FB2] =	sst s4  }
0xd: {  	[smem:$0x3FB3] =	sst s5  }
0xe: {  	[smem:$0x3FB4] =	sst s6  }
0xf: {  	[smem:$0x3FB5] =	sst s7  }
0x10: {  	[smem:$0x3FB6] =	sst s8  }
0x11: {  	[smem:$0x3FB7] =	sst s9;
	s0 =	simm.s32 @!p0 $0x0  }
0x12: {  	s1 =	sld [smem:$0x3F9D];
	s0 =	simm.s32 @p0 $0x1  }
0x13: {  	[smem:$0x3FB8] =	sst s0;
	s0 =	simm.s32 @!p1 $0x0  }
0x14: {  	s2 =	sld [smem:$0x3F9C];
	s0 =	simm.s32 @p1 $0x1  }
0x15: {  	[smem:$0x3FB9] =	sst s0;
	s0 =	simm.s32 @!p2 $0x0  }
0x16: {  	s3 =	sld [smem:$0x3FDB];
	s0 =	simm.s32 @p2 $0x1  }
0x17: {  	s4 =	simm.s32 $0x1BF5;
	[smem:$0x3FBB] =	sst s0  }
0x18: {  	s0 =	sld [smem:$0x3F9E];
	_ =	swait.ge [sflag:s4], $0x0  }
0x19: {  	s7 =	sld [smem:$0x3F9F]  }
0x1a: {  	s8 =	sadd.s32 $0xFFFFE003, lr  }
0x1b: {  	s9 =	sadd.s32 $0xFFFFFEF7, lr;
	s5 =	simm.s32 $0xFFFFFFFF;
	p2 =	slt.u32 s8, $0xFFFFF086  }
0x1c: {  	p1 =	slt.u32 s9, $0xF7A;
	s5 =	simm.s32 @!p2 $0x0  }
0x1d: {  	s5 =	simm.s32 @p1 $0x1;
	p0 =	seq.s32 s7, s2  }
0x1e: {  	s7 =	smul.u32 @!p0 $0xF7A, s2;
	p2 =	seq.s32 @!p0 s5, $0x0  }
0x1f: {  	s9 =	smul.u32 $0xF7A, s1;
	s8 =	simm.s32 @!p0 $0x1BF5;
	p2 =	por !p2, p0  }
0x20: {  	[sflag:s8] =	ssyncset.s32 @!p0 $0xFFFFF086;
	s6 =	sadd.s32 @!p0 s3, s7;
	s7 =	simm.s32 @!p0 $0x108  }
0x21: {  	s3 =	sadd.s32 s3, s9;
	s6 =	sadd.s32 @!p0 $0x88, s6;
	s7 =	simm.s32 @p2 $0x1082  }
0x22: {  	[simem:s7], [sflag:s8] =	dma.local @!p0 [hbm:s6], $0xF7A  }
0x23: {  	s9 =	sor.u32 $0xD0000000, s2;
	s6 =	simm.s32 $0x108;
	_ =	swait.ge @!p0 [sflag:s8], $0x0  }
0x24: {  	s3 =	sadd.s32 $0x88, s3;
	s6 =	simm.s32 @!p1 $0x1082;
	[sflag:s4] =	ssyncset.s32 $0xFFFFF086  }
0x25: {  	[simem:s6], [sflag:s4] =	dma.local [hbm:s3], $0xF7A  }
0x26: {  	[smem:$0x3F9F] =	sst s1;
	(tag) =	ssettag s2;
	_ =	strace s9  }
0x27: {  	s1 =	sld [smem:$0x3FAF]  }
0x28: {  	s2 =	sld [smem:$0x3FB0]  }
0x29: {  	s4 =	sld [smem:$0x3FB2]  }
0x2a: {  	p0 =	seq.s32 s5, $0x0;
	s5 =	sld [smem:$0x3FB3]  }
0x2b: {  	s6 =	sld [smem:$0x3FB4]  }
0x2c: {  	s7 =	sld [smem:$0x3FB5]  }
0x2d: {  	s3 =	simm.s32 $0x108;
	s8 =	sld [smem:$0x3FB6]  }
0x2e: {  	s3 =	simm.s32 @!p0 $0x1082;
	s9 =	sld [smem:$0x3FB7]  }
0x2f: {  	lr =	sadd.s32 s0, s3;
	s0 =	sld [smem:$0x3FAE]  }
0x30: {  	s3 =	sld [smem:$0x3FB1]  }
0x31: {  	[smem:$0x3FBA] =	sst s10  }
0x32: {  	s10 =	sld [smem:$0x3FB8];
	_ =	sdelay $0x3  }
0x33: {  	p0 =	seq.s32 s10, $0x1;
	s10 =	sld [smem:$0x3FBA];
	_ =	sdelay $0x3  }
0x34: {  	[smem:$0x3FBA] =	sst s10  }
0x35: {  	s10 =	sld [smem:$0x3FB9];
	_ =	sdelay $0x3  }
0x36: {  	p1 =	seq.s32 s10, $0x1;
	s10 =	sld [smem:$0x3FBA];
	_ =	sdelay $0x3  }
0x37: {  	[smem:$0x3FBA] =	sst s10  }
0x38: {  	s10 =	sld [smem:$0x3FBB]  }
0x39: {  	_ = 	snop;
	(pc) =	sbr.ind lr, $3  }
0x3a: {  	_ = 	snop  }
0x3b: {  	_ = 	snop  }
0x3c: {  	p2 =	seq.s32 s10, $0x1;
	s10 =	sld [smem:$0x3FBA]  }
0x3d: {  	_ =	shalt  }
0x3e: {  	_ =	shalt  }
0x3f: {  	_ =	shalt  }
0x40: {  	_ =	shalt  }
0x41: {  	_ =	shalt  }
0x42: {  	_ =	shalt  }
0x43: {  	_ =	shalt  }
0x44: {  	_ =	shalt  }
0x45: {  	_ =	shalt  }
0x46: {  	_ =	shalt  }
0x47: {  	_ =	shalt  }
0x48: {  	_ =	shalt  }
0x49: {  	_ =	shalt  }
0x4a: {  	_ =	shalt  }
0x4b: {  	_ =	shalt  }
0x4c: {  	_ =	shalt  }
0x4d: {  	_ =	shalt  }
0x4e: {  	_ =	shalt  }
0x4f: {  	_ =	shalt  }
0x50: {  	_ =	shalt  }
0x51: {  	_ =	shalt  }
0x52: {  	_ =	shalt  }
0x53: {  	_ =	shalt  }
0x54: {  	_ =	shalt  }
0x55: {  	_ =	shalt  }
0x56: {  	_ =	shalt  }
0x57: {  	_ =	shalt  }
0x58: {  	_ =	shalt  }
0x59: {  	_ =	shalt  }
0x5a: {  	_ =	shalt  }
0x5b: {  	_ =	shalt  }
0x5c: {  	_ =	shalt  }
0x5d: {  	_ =	shalt  }
0x5e: {  	_ =	shalt  }
0x5f: {  	_ =	shalt  }
0x60: {  	_ =	shalt  }
0x61: {  	_ =	shalt  }
0x62: {  	_ =	shalt  }
0x63: {  	_ =	shalt  }
0x64: {  	_ =	shalt  }
0x65: {  	_ =	shalt  }
0x66: {  	_ =	shalt  }
0x67: {  	_ =	shalt  }
0x68: {  	_ =	shalt  }
0x69: {  	_ =	shalt  }
0x6a: {  	_ =	shalt  }
0x6b: {  	_ =	shalt  }
0x6c: {  	_ =	shalt  }
0x6d: {  	_ =	shalt  }
0x6e: {  	_ =	shalt  }
0x6f: {  	_ =	shalt  }
0x70: {  	_ =	shalt  }
0x71: {  	_ =	shalt  }
0x72: {  	_ =	shalt  }
0x73: {  	_ =	shalt  }
0x74: {  	_ =	shalt  }
0x75: {  	_ =	shalt  }
0x76: {  	_ =	shalt  }
0x77: {  	_ =	shalt  }
0x78: {  	_ =	shalt  }
0x79: {  	_ =	shalt  }
0x7a: {  	_ =	shalt  }
0x7b: {  	_ =	shalt  }
0x7c: {  	_ =	shalt  }
0x7d: {  	_ =	shalt  }
0x7e: {  	_ =	shalt  }
0x7f: {  	_ =	shalt  }
0x80: {  	_ =	shalt  }
0x81: {  	_ =	shalt  }
0x82: {  	_ =	shalt  }
0x83: {  	_ =	shalt  }
0x84: {  	_ =	shalt  }
0x85: {  	_ =	shalt  }
0x86: {  	_ =	shalt  }
0x87: {  	_ =	shalt  }
.Lfunc_end0:
.L_simem_size_0:
called_computation_lowered:
.L_overlay_start_0:
0x88: {  	s2 =	sld [smem:$0x3FD9]  }
0x89: {  	s3 =	sld [smem:$0x3FFE];
	_ =	sdelay $0x1  }
0x8a: {  	s1 =	srdreg.scid  }
0x8b: {  	s0 =	sand.u32 $0x1, s1  }
0x8c: {  	s18 =	sshll.u32 s0, $0xA;
	s2 =	sadd.s32 s3, s2  }
0x8d: {  	s2 =	sadd.s32 s2, s18  }
0x8e: {  	[smem:$0x3FC6] =	sst s2  }
0x8f: {  	_ = 	snop  }
0x90: {  	s2 =	sld [smem:$0x3FC9]  }
0x91: {  	s19 =	sld [smem:$0x3FC8]  }
0x92: {  	s4 =	sld [smem:$0x3FD0];
	(tm) =	ssettm $0x1  }
0x93: {  	s5 =	sld [smem:$0x3FFB];
	_ =	sdelay $0x3  }
0x94: {  	_ =	strace s5  }
0x95: {  	s5 =	sld [smem:$0x3FFC];
	_ =	sdelay $0x3  }
0x96: {  	_ =	strace s5  }
0x97: {  	s5 =	sld [smem:$0x3FFD];
	_ =	sdelay $0x3  }
0x98: {  	_ =	strace s5  }
0x99: {  	_ =	strace $0x8FFFFFFF  }
0x9a: {  	s20 =	sld [smem:$0x3FDB];
	_ =	sdelay $0x1  }
0x9b: {  	s6 =	simm.s32 $_scs_section_size  }
0x9c: {  	s7 =	simm.s32 $_size__tile_overlayer_lowered;
	s8 =	simm.s32 $_tile_overlayer_lowered  }
0x9d: {  	s23 =	simm.s32 $0x1BFF;
	s22 =	sshll.u32 s8, $0x1;
	s5 =	sadd.s32 s6, s20  }
0x9e: {  	s9 =	simm.s32 $0x0;
	s21 =	sshll.u32 s7, $0x1;
	s7 =	sadd.s32 s22, s5  }
0x9f: {  	[timem:s9], [sflag:s23] =	dma.local [hbm:s7], s21  }
0xa0: {  	_ =	swait.ge [sflag:s23], s21  }
0xa1: {  	s6 =	ssub.s32 $0x0, s21;
	[sflag:s23] =	ssyncset.done $0x0  }
0xa2: {  	[sflag:s23] =	ssyncadd.s32 s6;
	_ =	sdelay $0x1  }
0xa3: {  	s24 =	simm.s32 $0x1B8B  }
0xa4: {  	_ =	swait.ge [sflag:s24], $0x1  }
0xa5: {  	[sflag:s24] =	ssyncset.done $0x0  }
0xa6: {  	s25 =	simm.s32 $0x1B8E;
	[sflag:s24] =	ssyncadd.s32 $0xFFFFFFFF  }
0xa7: {  	s26 =	simm.s32 $execute0_lowered;
	[smem:$0x3FD2] =	sst s25  }
0xa8: {  	s6 =	sshll.u32 s26, $0x1;
	_ =	strace $0x80000046;
	[dreg:$0x1] =	wrdreg $0xFFFFFFFF  }
0xa9: {  	s28 =	simm.s32 $_size_execute0_lowered;
	s5 =	sadd.s32 s5, s6;
	[dreg:$0x0] =	wrdreg $0x0  }
0xaa: {  	s6 =	sshll.u32 s28, $0x1;
	[dreg:$0x2] =	wrdreg s5  }
0xab: {  	[dreg:$0x3] =	wrdreg s6  }
0xac: {  	[dreg:$0x4] =	wrdreg $0xC0  }
0xad: {  	_ =	task [dreg:s9], $0x5FFFF  }
0xae: {  	[dreg:$0x1] =	wrdreg $0xFFFFFFFF  }
0xaf: {  	[dreg:$0x0] =	wrdreg $0x60  }
0xb0: {  	[dreg:$0x2] =	wrdreg s2  }
0xb1: {  	[dreg:$0x3] =	wrdreg s19  }
0xb2: {  	[dreg:$0x4] =	wrdreg s4  }
0xb3: {  	[dreg:$0x5] =	wrdreg $0x9  }
0xb4: {  	_ =	task.clear_ibuf [dreg:s9], $0x6FFFF;
	_ =	strace $0x90000046  }
0xb5: {  	s29 =	simm.s32 $0x9;
	_ =	strace $0x80000048  }
0xb6: {  	_ =	swait.ge [sflag:s29], $0x1  }
0xb7: {  	[sflag:s29] =	ssyncadd.s32 $0xFFFFFFFF  }
0xb8: {  	_ =	strace $0x90000048  }
0xb9: {  	_ =	sfence  }
0xba: {  	s30 =	sld [smem:$0x0];
	_ =	sdelay $0x2  }
0xbb: {  	s31 =	sshll.u32 s1, $0xD;
	s1 =	sshrl.u32 s1, $0x2  }
0xbc: {  	s3 =	sand.u32 $0x4000, s31;
	s1 =	sadd.s32 s1, s30  }
0xbd: {  	s0 =	sor.u32 s3, s0;
	s1 =	sshll.u32 s1, $0x11  }
0xbe: {  	s0 =	sor.u32 s1, s0  }
0xbf: {  	s0 =	sadd.s32 $0x8F2B, s0  }
0xc0: {  	[sflag:s0] =	ssyncadd.remote.s32 $0x1  }
0xc1: {  	_ =	sfence.sel $0xFFFF  }
0xc2: {  	[dreg:$0x0] =	wrdreg $0xFFFFFFFF;
	(pc) =	sbr.abs _section_cstart, $3  }
0xc3: {  	[dreg:$0x1] =	wrdreg $0xFFFFFFFF  }
0xc4: {  	_ =	task.clear_ibuf [dreg:s9], $0x2FFFF;
	_ =	strace $0x9FFFFFFF  }
0xc5: {  	(tm) =	ssettm $0x7FFFFFFF  }
tec
execute0_lowered:
.L_overlay_start_1:
0x0: {  	(tag) =	ssettag $0x1  }
0x1: {  	s4 =	rddreg [dreg:$0x0]  }
0x2: {  	s3 =	rddreg [dreg:$0x1]  }
0x3: {  	s5 =	rddreg [dreg:$0x2];
	s6 =	srdreg.scid  }
0x4: {  	s0 =	rddreg [dreg:$0x3];
	s1 =	stileid.u32;
	s6 =	sand.u32 $0x1, s6  }
0x5: {  	s8 =	sshll.u32 s1, $0xA;
	s7 =	ssub.s32 $0x2, s6;
	s6 =	sshll.u32 s6, $0x9  }
0x6: {  	s2 =	simm.s32 $0x0;
	s9 =	sshrl.u32 s7, $0x1;
	s6 =	sor.u32 s6, s8  }
0x7: {  	[smem:$0x7FF] =	sst s2;
	s7 =	ssub.s32 s7, s9;
	s8 =	sshrl.u32 s6, $0x3  }
0x8: {  	_ =	strace $0x80000047;
	s14 =	sadd.s32 s4, s8;
	s15 =	smax.u32 s7, $0x1  }
0x9: {  	[tilespmem:s2], [sflag:$0x2] =	stream.linear.gather [hbm4b:s14+s2], $0x200, $0x38;
	[tilespmem:$0x10200] =	vst v63  }
0xa: {  	s4 =	simm.s32 $0x2;
	p0 =	sne.s32 s15, $0x1  }
.Ltmp0:
0xb: {  	s10 =	simm.s32 $0x100;
	_ =	swait.ge [sflag:s4], $0x200;
	(pc) =	sbr.rel @!p0 .LBB2_2-.Ltmp0, $4  }
0xc: {  	s11 =	simm.s32 $0x8200;
	s12 =	simm.s32 $0x180;
	[sflag:s4] =	ssyncset.done $0x0  }
0xd: {  	s13 =	simm.s32 $0xC200;
	s6 =	sshll.u32 s6, $0x4;
	[sflag:s4] =	ssyncadd.s32 $0xFFFFFE00  }
0xe: {  	s9 =	simm.s32 $0x4200;
	s5 =	sadd.s32 s5, s6;
	s8 =	simm.s32 $0x80;
	v0 =	vld [tilespmem:$0x1C0]  }
0xf: {  	s6 =	simm.s32 $0x200;
	s7 =	simm.s32 $0x1;
	s15 =	sadd.s32 $0xFFFFFFFF, s15;
	v1 =	vld [tilespmem:$0x1D0]  }
.LBB2_1:
0x10: {  	p0 =	sne.s32 s15, $0x1;
	s15 =	sadd.s32 $0xFFFFFFFF, s15;
	v2 =	vld [tilespmem:$0x1E0]  }
0x11: {  	v3 =	vld [tilespmem:$0x20]  }
0x12: {  	v4 =	vld [tilespmem:$0x0]  }
0x13: {  	v5 =	vld [tilespmem:$0x130]  }
0x14: {  	v6 =	vld [tilespmem:$0x80]  }
0x15: {  	v1 =	vadd.s32 $0x1, v1;
	v2 =	vadd.s32 $0x1, v2;
	v7 =	vld [tilespmem:$0x1F0]  }
0x16: {  	v0 =	vadd.s32 $0x1, v0;
	v3 =	vadd.s32 $0x1, v3;
	v8 =	vld [tilespmem:$0x1B0];
	[tilespmem:$0x1E0] =	vst v2  }
0x17: {  	v2 =	vadd.s32 $0x1, v4;
	[tilespmem:$0x20] =	vst v3;
	v3 =	vld [tilespmem:$0x170]  }
0x18: {  	v4 =	vadd.s32 $0x1, v5;
	v5 =	vld [tilespmem:$0x190];
	[tilespmem:$0x1D0] =	vst v1  }
0x19: {  	v1 =	vld [tilespmem:$0x40];
	[tilespmem:$0x1C0] =	vst v0  }
0x1a: {  	v0 =	vld [tilespmem:$0x50];
	[tilespmem:$0x130] =	vst v4;
	v4 =	vadd.s32 $0x1, v7  }
0x1b: {  	v7 =	vld [tilespmem:$0x60];
	v8 =	vadd.s32 $0x1, v8;
	[tilespmem:$0x1F0] =	vst v4  }
0x1c: {  	v4 =	vld [tilespmem:$0x70];
	v3 =	vadd.s32 $0x1, v3;
	[tilespmem:$0x1B0] =	vst v8  }
0x1d: {  	v8 =	vld [tilespmem:$0x160];
	[tilespmem:$0x170] =	vst v3;
	v3 =	vadd.s32 $0x1, v5  }
0x1e: {  	v1 =	vadd.s32 $0x1, v1;
	v5 =	vld [tilespmem:$0x90];
	[tilespmem:$0x190] =	vst v3  }
0x1f: {  	[tilespmem:$0x40] =	vst v1;
	v0 =	vadd.s32 $0x1, v0;
	v1 =	vld [tilespmem:$0x180]  }
0x20: {  	[tilespmem:$0x50] =	vst v0;
	v0 =	vadd.s32 $0x1, v7;
	v3 =	vld [tilespmem:$0xA0]  }
0x21: {  	[tilespmem:$0x60] =	vst v0;
	v0 =	vadd.s32 $0x1, v4;
	v4 =	vld [tilespmem:$0x150]  }
0x22: {  	v7 =	vld [tilespmem:$0x30];
	[tilespmem:$0x70] =	vst v0;
	v0 =	vadd.s32 $0x1, v6;
	v6 =	vadd.s32 $0x1, v8  }
0x23: {  	v8 =	vld [tilespmem:$0x140];
	[tilespmem:$0x160] =	vst v6  }
0x24: {  	[tilespmem:$0x80] =	vst v0;
	v0 =	vadd.s32 $0x1, v5;
	v5 =	vld [tilespmem:$0xC0];
	v1 =	vadd.s32 $0x1, v1  }
0x25: {  	v3 =	vadd.s32 $0x1, v3;
	v6 =	vld [tilespmem:$0xB0];
	[tilespmem:$0x180] =	vst v1  }
0x26: {  	[tilespmem:$0xA0] =	vst v3;
	v1 =	vld [tilespmem:$0xD0];
	v3 =	vadd.s32 $0x1, v4  }
0x27: {  	v4 =	vld [tilespmem:$0x120];
	[tilespmem:$0x150] =	vst v3  }
0x28: {  	v3 =	vadd.s32 $0x1, v7;
	[tilespmem:$0x90] =	vst v0;
	v0 =	vld [tilespmem:$0xE0];
	v7 =	vadd.s32 $0x1, v8  }
0x29: {  	v5 =	vadd.s32 $0x1, v5;
	v8 =	vld [tilespmem:$0x110];
	[tilespmem:$0x140] =	vst v7  }
0x2a: {  	v7 =	vld [tilespmem:$0x10];
	v6 =	vadd.s32 $0x1, v6;
	[tilespmem:$0xC0] =	vst v5  }
0x2b: {  	[tilespmem:$0xB0] =	vst v6;
	v5 =	vld [tilespmem:$0x100]  }
0x2c: {  	v1 =	vadd.s32 $0x1, v1;
	[tilespmem:$0x30] =	vst v3;
	v3 =	vadd.s32 $0x1, v4  }
0x2d: {  	v0 =	vadd.s32 $0x1, v0;
	[tilespmem:$0x120] =	vst v3  }
0x2e: {  	[tilespmem:$0xE0] =	vst v0;
	v0 =	vadd.s32 $0x1, v8;
	v3 =	vld [tilespmem:$0x1A0]  }
0x2f: {  	v4 =	vld [tilespmem:$0xF0];
	[tilespmem:$0x110] =	vst v0  }
0x30: {  	v0 =	vadd.s32 $0x1, v7;
	[tilespmem:$0xD0] =	vst v1;
	v1 =	vadd.s32 $0x1, v5  }
0x31: {  	[tilespmem:$0x100] =	vst v1  }
0x32: {  	[tilespmem:$0x10] =	vst v0  }
0x33: {  	[tilespmem:$0x0] =	vst v2;
	v0 =	vadd.s32 $0x1, v3  }
0x34: {  	v1 =	vadd.s32 $0x1, v4;
	[tilespmem:$0x1A0] =	vst v0  }
0x35: {  	[tilespmem:$0xF0] =	vst v1  }
0x36: {  	[tilespmem:s6], [sflag:$0x1] =	stream.indirect.gather [hbm4b:s3+s8], $0x80, s2, s8, $0xb8;
	[tilespmem:$0x10200] =	vst v63  }
0x37: {  	_ = 	snop  }
0x38: {  	[tilespmem:s9], [sflag:$0x1] =	stream.indirect.gather [hbm4b:s3+s8], $0x80, s8, s8, $0xb8;
	[tilespmem:$0x10200] =	vst v63  }
0x39: {  	_ = 	snop  }
0x3a: {  	[tilespmem:s11], [sflag:$0x1] =	stream.indirect.gather [hbm4b:s3+s8], $0x80, s10, s8, $0xb8;
	[tilespmem:$0x10200] =	vst v63  }
0x3b: {  	_ = 	snop  }
0x3c: {  	[tilespmem:s13], [sflag:$0x1] =	stream.indirect.gather [hbm4b:s3+s8], $0x80, s12, s8, $0xb8;
	[tilespmem:$0x10200] =	vst v63  }
0x3d: {  	_ =	swait.ge [sflag:s7], $0x4000  }
0x3e: {  	[sflag:s7] =	ssyncset.done $0x0  }
0x3f: {  	[sflag:s7] =	ssyncadd.s32 $0xFFFFC000  }
0x40: {  	_ =	swait.ge [sflag:s7], $0x4000  }
0x41: {  	[sflag:s7] =	ssyncset.done $0x0  }
0x42: {  	[sflag:s7] =	ssyncadd.s32 $0xFFFFC000  }
0x43: {  	_ =	swait.ge [sflag:s7], $0x4000  }
0x44: {  	[sflag:s7] =	ssyncset.done $0x0  }
0x45: {  	[sflag:s7] =	ssyncadd.s32 $0xFFFFC000  }
0x46: {  	_ =	swait.ge [sflag:s7], $0x4000  }
0x47: {  	[sflag:s7] =	ssyncset.done $0x0  }
0x48: {  	[sflag:s7] =	ssyncadd.s32 $0xFFFFC000  }
0x49: {  	[hbm4b:s5+s2] =	stream.linear.scatter [tilespmem:s6], [sflag:$0x2], $0x10000, $0x38;
	[tilespmem:$0x10200] =	vst v63  }
0x4a: {  	_ =	swait.ge [sflag:s4], $0x10000  }
0x4b: {  	[sflag:s4] =	ssyncset.done $0x0  }
0x4c: {  	[sflag:s4] =	ssyncadd.s32 $0xFFFF0000  }
0x4d: {  	[tilespmem:s2], [sflag:$0x2] =	stream.linear.gather [hbm4b:s14+s2], $0x200, $0x38;
	[tilespmem:$0x10200] =	vst v63  }
.Ltmp1:
0x4e: {  	_ =	swait.ge [sflag:s4], $0x200;
	(pc) =	sbr.rel @p0 .LBB2_1-.Ltmp1, $4  }
0x4f: {  	[sflag:s4] =	ssyncset.done $0x0  }
0x50: {  	[sflag:s4] =	ssyncadd.s32 $0xFFFFFE00  }
0x51: {  	v0 =	vld [tilespmem:$0x1C0]  }
0x52: {  	v1 =	vld [tilespmem:$0x1D0]  }
.LBB2_2:
0x53: {  	v2 =	vld [tilespmem:$0x1E0]  }
0x54: {  	v3 =	vld [tilespmem:$0x20]  }
0x55: {  	v4 =	vld [tilespmem:$0x130]  }
0x56: {  	v5 =	vld [tilespmem:$0x1F0];
	v0 =	vadd.s32 $0x1, v0  }
0x57: {  	v6 =	vld [tilespmem:$0x1B0];
	v1 =	vadd.s32 $0x1, v1;
	[tilespmem:$0x1C0] =	vst v0  }
0x58: {  	v23 =	vld [tilespmem:$0x190];
	v2 =	vadd.s32 $0x1, v2;
	[tilespmem:$0x1D0] =	vst v1  }
0x59: {  	v25 =	vld [tilespmem:$0x40];
	v3 =	vadd.s32 $0x1, v3;
	[tilespmem:$0x1E0] =	vst v2  }
0x5a: {  	v26 =	vld [tilespmem:$0x50];
	v24 =	vadd.s32 $0x1, v4;
	[tilespmem:$0x20] =	vst v3  }
0x5b: {  	v28 =	vld [tilespmem:$0x60];
	v27 =	vadd.s32 $0x1, v5;
	[tilespmem:$0x130] =	vst v24  }
0x5c: {  	v29 =	vld [tilespmem:$0x70];
	v6 =	vadd.s32 $0x1, v6;
	[tilespmem:$0x1F0] =	vst v27  }
0x5d: {  	v30 =	vld [tilespmem:$0x160];
	v31 =	vadd.s32 $0x1, v23;
	[tilespmem:$0x1B0] =	vst v6  }
0x5e: {  	v35 =	vld [tilespmem:$0xA0];
	v4 =	vadd.s32 $0x1, v25;
	[tilespmem:$0x190] =	vst v31  }
0x5f: {  	v37 =	vld [tilespmem:$0x150];
	v0 =	vadd.s32 $0x1, v26;
	[tilespmem:$0x40] =	vst v4  }
0x60: {  	v38 =	vld [tilespmem:$0x90];
	v34 =	vadd.s32 $0x1, v28;
	[tilespmem:$0x50] =	vst v0  }
0x61: {  	v40 =	vld [tilespmem:$0x140];
	v36 =	vadd.s32 $0x1, v29;
	[tilespmem:$0x60] =	vst v34  }
0x62: {  	v44 =	vld [tilespmem:$0x30];
	v39 =	vadd.s32 $0x1, v30;
	[tilespmem:$0x70] =	vst v36  }
0x63: {  	v46 =	vld [tilespmem:$0x120];
	v42 =	vadd.s32 $0x1, v35;
	[tilespmem:$0x160] =	vst v39  }
0x64: {  	v49 =	vld [tilespmem:$0x110];
	v1 =	vadd.s32 $0x1, v37;
	[tilespmem:$0xA0] =	vst v42  }
0x65: {  	v52 =	vld [tilespmem:$0x100];
	v45 =	vadd.s32 $0x1, v38;
	[tilespmem:$0x150] =	vst v1  }
0x66: {  	v53 =	vld [tilespmem:$0x10];
	v48 =	vadd.s32 $0x1, v40;
	[tilespmem:$0x90] =	vst v45  }
0x67: {  	v55 =	vld [tilespmem:$0x0];
	v51 =	vadd.s32 $0x1, v44;
	[tilespmem:$0x140] =	vst v48  }
0x68: {  	v57 =	vld [tilespmem:$0x1A0];
	v54 =	vadd.s32 $0x1, v46;
	[tilespmem:$0x30] =	vst v51  }
0x69: {  	v58 =	vld [tilespmem:$0xF0];
	v56 =	vadd.s32 $0x1, v49;
	[tilespmem:$0x120] =	vst v54  }
0x6a: {  	v22 =	vld [tilespmem:$0x170];
	v59 =	vadd.s32 $0x1, v52;
	[tilespmem:$0x110] =	vst v56  }
0x6b: {  	v32 =	vld [tilespmem:$0x80];
	v60 =	vadd.s32 $0x1, v53;
	[tilespmem:$0x100] =	vst v59  }
0x6c: {  	v41 =	vld [tilespmem:$0xC0];
	v61 =	vadd.s32 $0x1, v55;
	[tilespmem:$0x10] =	vst v60  }
0x6d: {  	v43 =	vld [tilespmem:$0xB0];
	v62 =	vadd.s32 $0x1, v57;
	[tilespmem:$0x0] =	vst v61  }
0x6e: {  	v47 =	vld [tilespmem:$0xE0];
	v63 =	vadd.s32 $0x1, v58;
	[tilespmem:$0x1A0] =	vst v62  }
0x6f: {  	v33 =	vld [tilespmem:$0x180];
	v2 =	vadd.s32 $0x1, v22;
	[tilespmem:$0xF0] =	vst v63  }
0x70: {  	v50 =	vld [tilespmem:$0xD0];
	v3 =	vadd.s32 $0x1, v32;
	[tilespmem:$0x170] =	vst v2  }
0x71: {  	v0 =	vadd.s32 $0x1, v41;
	[tilespmem:$0x80] =	vst v3  }
0x72: {  	v4 =	vadd.s32 $0x1, v43;
	[tilespmem:$0xC0] =	vst v0  }
0x73: {  	v1 =	vadd.s32 $0x1, v47;
	[tilespmem:$0xB0] =	vst v4  }
0x74: {  	v2 =	vadd.s32 $0x1, v33;
	[tilespmem:$0xE0] =	vst v1  }
0x75: {  	v3 =	vadd.s32 $0x1, v50;
	[tilespmem:$0x180] =	vst v2  }
0x76: {  	[tilespmem:$0xD0] =	vst v3  }
0x77: {  	[tilespmem:s6], [sflag:$0x1] =	stream.indirect.gather [hbm4b:s3+s8], $0x80, s2, s8, $0xb8;
	[tilespmem:$0x10200] =	vst v63  }
0x78: {  	_ = 	snop  }
0x79: {  	[tilespmem:s9], [sflag:$0x1] =	stream.indirect.gather [hbm4b:s3+s8], $0x80, s8, s8, $0xb8;
	[tilespmem:$0x10200] =	vst v63  }
0x7a: {  	_ = 	snop  }
0x7b: {  	[tilespmem:s11], [sflag:$0x1] =	stream.indirect.gather [hbm4b:s3+s8], $0x80, s10, s8, $0xb8;
	[tilespmem:$0x10200] =	vst v63  }
0x7c: {  	_ = 	snop  }
0x7d: {  	[tilespmem:s13], [sflag:$0x1] =	stream.indirect.gather [hbm4b:s3+s8], $0x80, s12, s8, $0xb8;
	[tilespmem:$0x10200] =	vst v63  }
0x7e: {  	_ =	swait.ge [sflag:s7], $0x4000  }
0x7f: {  	[sflag:s7] =	ssyncset.done $0x0  }
0x80: {  	[sflag:s7] =	ssyncadd.s32 $0xFFFFC000  }
0x81: {  	_ =	swait.ge [sflag:s7], $0x4000  }
0x82: {  	[sflag:s7] =	ssyncset.done $0x0  }
0x83: {  	[sflag:s7] =	ssyncadd.s32 $0xFFFFC000  }
0x84: {  	_ =	swait.ge [sflag:s7], $0x4000  }
0x85: {  	[sflag:s7] =	ssyncset.done $0x0  }
0x86: {  	[sflag:s7] =	ssyncadd.s32 $0xFFFFC000  }
0x87: {  	_ =	swait.ge [sflag:s7], $0x4000  }
0x88: {  	[sflag:s7] =	ssyncset.done $0x0  }
0x89: {  	[sflag:s7] =	ssyncadd.s32 $0xFFFFC000  }
0x8a: {  	[hbm4b:s5+s2] =	stream.linear.scatter [tilespmem:s6], [sflag:$0x2], $0x10000, $0x38;
	[tilespmem:$0x10200] =	vst v63  }
0x8b: {  	_ =	swait.ge [sflag:s4], $0x10000  }
0x8c: {  	[sflag:s4] =	ssyncset.done $0x0  }
0x8d: {  	[sflag:s4] =	ssyncadd.s32 $0xFFFF0000  }
0x8e: {  	_ =	sfence.sel $0x180000  }
0x8f: {  	[bflag:$0x0] =	sbarrier.arrive $0xFFFF  }
0x90: {  	p0 =	sne.s32 s1, $0x0;
	_ =	strace $0x90000047  }
0x91: {  	s0 =	sadd.s32 @!p0 $0x100000, s0;
	[bflag:$0x2] =	sbarrier.arrive $0xFFFF  }
0x92: {  	[sflag:s0] =	ssyncadd.tile.s32 @!p0 $0x1;
	_ =	shalt  }
.Lfunc_end2:
_tile_overlayer_lowered:
.L_overlay_start_2:
0x93: {  	(tag) =	ssettag $0x2  }
0x94: {  	s0 =	rddreg [dreg:$0x0];
	s2 =	stileid.u32  }
0x95: {  	s1 =	rddreg [dreg:$0x1];
	p0 =	sne.s32 s2, $0x0  }
0x96: {  	s3 =	rddreg [dreg:$0x2];
	[bflag:$0x3] =	sbarrier.arrive $0xFFFF;
	s2 =	simm.s32 @!p0 $0x1C02  }
0x97: {  	[timem:s3], [sflag:s2] =	dma.local @!p0 [hbm:s0], s1  }
0x98: {  	s0 =	simm.s32 @!p0 $0x2  }
0x99: {  	_ =	swait.ge @!p0 [sflag:s0], s1  }
0x9a: {  	s1 =	ssub.s32 @!p0 $0x0, s1;
	[sflag:s0] =	ssyncset.done @!p0 $0x0  }
0x9b: {  	[sflag:s0] =	ssyncadd.s32 @!p0 s1  }
0x9c: {  	[bflag:$0x3] =	sbarrier.arrive $0xFFFF  }
0x9d: {  	_ =	shalt  }

</sc_bundles>
